<compile_context>
chip_gen: v7x
topology: tpu7x:2x2x1
jax: 0.10.2.dev20260603
libtpu: 0.0.44.dev20260713+nightly
codegen_flags: <defaults>
</compile_context>

<pallas_src>
import functools

import jax
import jax.numpy as jnp
from jax import lax
from jax.experimental import pallas as pl
from jax.experimental.pallas import tpu as pltpu
from jax.experimental.pallas import tpu_sc as plsc

N_TOK = 8192
K = 8192
D = 256
TM = 256
N_TILES = N_TOK // TM
KC = 4096

SC_NC = 2
SC_NS = 16
SC_NW = SC_NC * SC_NS
CHUNK = 128
CHUNKS_TOTAL = N_TOK // CHUNK
CHUNKS_PER_W = CHUNKS_TOTAL // SC_NW


KSUB = 4096


def _dist_argmax_body(x_ref, emb_ref, idx_ref):
    xt = x_ref[...]
    ms, idxs = [], []
    for c in range(K // KSUB):
        dc = lax.dot_general(
            xt, emb_ref[c * KSUB:(c + 1) * KSUB, :],
            (((1,), (1,)), ((), ())),
            preferred_element_type=jnp.float32)
        m = jnp.max(dc, axis=1, keepdims=True)
        iota = lax.broadcasted_iota(jnp.int32, dc.shape, 1)
        i = jnp.min(jnp.where(dc == m, iota, jnp.int32(2**30)),
                    axis=1, keepdims=True) + c * KSUB
        ms.append(m)
        idxs.append(i)
    per = KC // KSUB
    cms, cidxs = [], []
    for b in range(K // KC):
        mv, iv = ms[b * per], idxs[b * per]
        for c in range(b * per + 1, (b + 1) * per):
            hit = ms[c] > mv
            iv = jnp.where(hit, idxs[c], iv)
            mv = jnp.maximum(mv, ms[c])
        cms.append(mv)
        cidxs.append(iv)
    acc_v = cms[0].astype(jnp.bfloat16).astype(jnp.float32)
    acc_i = cidxs[0]
    for b in range(1, K // KC):
        take = cms[b] > acc_v
        acc_v = jnp.where(take, cms[b].astype(jnp.bfloat16).astype(jnp.float32),
                          acc_v)
        acc_i = jnp.where(take, cidxs[b], acc_i)
    idx_ref[0, 0, :] = acc_i[:, 0]


def _compute_indices(fl, en):
    out = pl.pallas_call(
        _dist_argmax_body,
        grid=(N_TILES,),
        in_specs=[
            pl.BlockSpec((TM, D), lambda i: (i, 0)),
            pl.BlockSpec((K, D), lambda i: (0, 0)),
        ],
        out_specs=pl.BlockSpec((1, 1, TM), lambda i: (i, 0, 0)),
        out_shape=jax.ShapeDtypeStruct((N_TILES, 1, TM), jnp.int32),
    )(fl, en)
    return out.reshape(N_TOK)


def _gather_body(table_hbm, idx_hbm, out_hbm, idx_v, rows_v, sem):
    wid = lax.axis_index("s") * SC_NC + lax.axis_index("c")
    for b in range(CHUNKS_PER_W):
        chunk = wid * CHUNKS_PER_W + b
        pltpu.sync_copy(idx_hbm.at[chunk], idx_v)
        pltpu.async_copy(table_hbm.at[idx_v], rows_v, sem).wait()
        pltpu.sync_copy(rows_v, out_hbm.at[pl.ds(chunk * CHUNK, CHUNK)])


def _gather_rows(embeddings, idx_flat):
    idx2d = idx_flat.reshape(CHUNKS_TOTAL, CHUNK)
    mesh = plsc.VectorSubcoreMesh(core_axis_name="c", subcore_axis_name="s")
    k = functools.partial(
        pl.kernel,
        out_type=jax.ShapeDtypeStruct((N_TOK, D), jnp.float32),
        mesh=mesh,
        scratch_types=[
            pltpu.VMEM((CHUNK,), jnp.int32),
            pltpu.VMEM((CHUNK, D), jnp.float32),
            pltpu.SemaphoreType.DMA,
        ],
    )(_gather_body)
    return k(embeddings, idx2d)


def kernel(x, embeddings):
    shape = x.shape
    flatten = x.reshape(-1, shape[-1])
    fn = jnp.linalg.norm(flatten, axis=-1, keepdims=True)
    fl = flatten / jnp.maximum(fn, 1e-12)
    en_norm = jnp.linalg.norm(embeddings, axis=-1, keepdims=True)
    en = embeddings / jnp.maximum(en_norm, 1e-12)
    idx_flat = _compute_indices(fl, en)
    quantized = _gather_rows(embeddings, idx_flat)
    return quantized.reshape(shape), idx_flat.reshape(shape[:-1])

# --- scband reference (transcript-rebuilt; emitter-appended) ---
"""Pipeline reference for scband-cosine-similarity-codebook-29463475651258 (READ-ONLY COPY).

The authoritative reference and input builder live on the scoring server;
editing this copy changes nothing except your own understanding.
"""

import jax, jax.numpy as jnp
import numpy as np


def _norm(t, eps=1e-12):
    n = jnp.linalg.norm(t, axis=-1, keepdims=True)
    return t / jnp.maximum(n, eps)


def setup_inputs(seed: int = 0) -> dict:
    key = jax.random.key(seed)
    k1, k2 = jax.random.split(key)
    x = jax.random.normal(k1, (8, 1024, 256), dtype=jnp.float32)
    # learned codebook buffer, initialized as norm(randn) per __attrs_post_init__
    embeddings = _norm(jax.random.normal(k2, (8192, 256), dtype=jnp.float32))
    return {"x": x, "embeddings": embeddings}


def reference(x, embeddings):
    # eval-mode forward of CosineSimilarityCodebook (initialized=True, training=False)
    shape = x.shape
    flatten = x.reshape(-1, shape[-1])
    flatten = _norm(flatten)
    emb_n = _norm(embeddings)
    dist = flatten @ emb_n.T  # [N_tok, K] cosine similarities
    indices = jnp.argmax(dist, axis=-1)
    indices = indices.reshape(shape[:-1])
    quantized = jnp.take(embeddings, indices, axis=0)  # F.embedding
    return quantized, indices

if __name__ == "__main__":
    import jax
    _d = setup_inputs()
    print(jax.jit(kernel)(*tuple(_d.values())))

</pallas_src>

<mosaic_0001>
#map = affine_map<(d0, d1) -> (0, 0)>
module attributes {stable_mosaic.version = 14 : i64} {
  func.func @_gather_body(%arg0: i32, %arg1: i32, %arg2: memref<8192x256xf32, #tpu.memory_space<hbm>>, %arg3: memref<64x128xi32, #tpu.memory_space<hbm>>, %arg4: memref<8192x256xf32, #tpu.memory_space<hbm>>, %arg5: memref<128xi32, #tpu.memory_space<vmem>>, %arg6: memref<128x256xf32, #tpu.memory_space<vmem>>, %arg7: memref<!tpu.dma_semaphore, #tpu.memory_space<semaphore_mem>>) attributes {dimension_semantics = [#tpu.dimension_semantics<core_parallel>, #tpu.dimension_semantics<subcore_parallel>], iteration_bounds = array<i64: 2, 16>, scalar_prefetch = 0 : i64, scratch_operands = 3 : i64, tpu.core_type = #tpu.core_type<sc_vector_subcore>, window_params = [{transform_indices = #map}, {transform_indices = #map}, {transform_indices = #map}]} {
    %mul3A = arith.constant 2 : i32
    %mul3A_0 = arith.muli %arg1, %mul3A : i32
    %add3A = arith.addi %mul3A_0, %arg0 : i32
    %mul3A_1 = arith.constant 2 : i32
    %mul3A_2 = arith.muli %add3A, %mul3A_1 : i32
    %add3A_3 = arith.constant 0 : i32
    %add3A_4 = arith.addi %mul3A_2, %add3A_3 : i32
    "tpu.region"() ({
      %run_scoped3A = tpu.sem_alloc : memref<!tpu.dma_semaphore, #tpu.memory_space<semaphore_mem>>
      %dma_start3A_23 = arith.constant 0 : i32
      %dma_start3A_24 = tpu.memref_slice %arg3[%add3A_4, %dma_start3A_23] : memref<64x128xi32, #tpu.memory_space<hbm>> -> memref<1x128xi32, #tpu.memory_space<hbm>>
      %dma_start3A_25 = tpu.memref_squeeze %dma_start3A_24 : memref<1x128xi32, #tpu.memory_space<hbm>> -> memref<128xi32, #tpu.memory_space<hbm>>
      %dma_start3A_26 = arith.constant 0 : i32
      %dma_start3A_27 = tpu.memref_slice %arg3[%add3A_4, %dma_start3A_26] : memref<64x128xi32, #tpu.memory_space<hbm>> -> memref<1x128xi32, #tpu.memory_space<hbm>>
      %dma_start3A_28 = tpu.memref_squeeze %dma_start3A_27 : memref<1x128xi32, #tpu.memory_space<hbm>> -> memref<128xi32, #tpu.memory_space<hbm>>
      tpu.enqueue_dma source(%dma_start3A_28 : memref<128xi32, #tpu.memory_space<hbm>>) target(%arg5 : memref<128xi32, #tpu.memory_space<vmem>>) target_semaphore(%run_scoped3A : memref<!tpu.dma_semaphore, #tpu.memory_space<semaphore_mem>>)
      %dma_wait3A_29 = arith.constant 0 : i32
      %dma_wait3A_30 = tpu.memref_slice %arg3[%add3A_4, %dma_wait3A_29] : memref<64x128xi32, #tpu.memory_space<hbm>> -> memref<1x128xi32, #tpu.memory_space<hbm>>
      %dma_wait3A_31 = tpu.memref_squeeze %dma_wait3A_30 : memref<1x128xi32, #tpu.memory_space<hbm>> -> memref<128xi32, #tpu.memory_space<hbm>>
      %dma_wait3A_32 = arith.constant 0 : i32
      %dma_wait3A_33 = tpu.memref_slice %arg3[%add3A_4, %dma_wait3A_32] : memref<64x128xi32, #tpu.memory_space<hbm>> -> memref<1x128xi32, #tpu.memory_space<hbm>>
      %dma_wait3A_34 = tpu.memref_squeeze %dma_wait3A_33 : memref<1x128xi32, #tpu.memory_space<hbm>> -> memref<128xi32, #tpu.memory_space<hbm>>
      tpu.wait_dma2 semaphore(%run_scoped3A : memref<!tpu.dma_semaphore, #tpu.memory_space<semaphore_mem>>) src(%dma_wait3A_34 : memref<128xi32, #tpu.memory_space<hbm>>) dst(%arg5 : memref<128xi32, #tpu.memory_space<vmem>>)
      tpu.yield
    }) : () -> ()
    %dma_start3A = arith.constant 0 : i32
    %dma_start3A_5 = arith.constant 0 : i32
    %dma_start3A_6 = tpu.memref_slice %arg2[%dma_start3A, %dma_start3A_5] : memref<8192x256xf32, #tpu.memory_space<hbm>> -> memref<8192x256xf32, #tpu.memory_space<hbm>>
    tpu.enqueue_indirect_dma source(%dma_start3A_6 : memref<8192x256xf32, #tpu.memory_space<hbm>>) target(%arg6 : memref<128x256xf32, #tpu.memory_space<vmem>>) offsets(%arg5 : memref<128xi32, #tpu.memory_space<vmem>>) semaphore(%arg7 : memref<!tpu.dma_semaphore, #tpu.memory_space<semaphore_mem>>)
    %dma_wait3A = arith.constant 0 : i32
    %dma_wait3A_7 = arith.constant 0 : i32
    %dma_wait3A_8 = tpu.memref_slice %arg2[%dma_wait3A, %dma_wait3A_7] : memref<8192x256xf32, #tpu.memory_space<hbm>> -> memref<8192x256xf32, #tpu.memory_space<hbm>>
    tpu.wait_indirect_dma semaphore(%arg7 : memref<!tpu.dma_semaphore, #tpu.memory_space<semaphore_mem>>) src(%dma_wait3A_8 : memref<8192x256xf32, #tpu.memory_space<hbm>>) dst(%arg6 : memref<128x256xf32, #tpu.memory_space<vmem>>)
    %mul3A_9 = arith.constant 128 : i32
    %mul3A_10 = arith.muli %add3A_4, %mul3A_9 : i32
    "tpu.region"() ({
      %run_scoped3A = tpu.sem_alloc : memref<!tpu.dma_semaphore, #tpu.memory_space<semaphore_mem>>
      %dma_start3A_23 = arith.constant 0 : i32
      %dma_start3A_24 = tpu.memref_slice %arg4[%mul3A_10, %dma_start3A_23] : memref<8192x256xf32, #tpu.memory_space<hbm>> -> memref<128x256xf32, #tpu.memory_space<hbm>>
      %dma_start3A_25 = arith.constant 0 : i32
      %dma_start3A_26 = tpu.memref_slice %arg4[%mul3A_10, %dma_start3A_25] : memref<8192x256xf32, #tpu.memory_space<hbm>> -> memref<128x256xf32, #tpu.memory_space<hbm>>
      tpu.enqueue_dma source(%arg6 : memref<128x256xf32, #tpu.memory_space<vmem>>) target(%dma_start3A_26 : memref<128x256xf32, #tpu.memory_space<hbm>>) target_semaphore(%run_scoped3A : memref<!tpu.dma_semaphore, #tpu.memory_space<semaphore_mem>>)
      %dma_wait3A_27 = arith.constant 0 : i32
      %dma_wait3A_28 = tpu.memref_slice %arg4[%mul3A_10, %dma_wait3A_27] : memref<8192x256xf32, #tpu.memory_space<hbm>> -> memref<128x256xf32, #tpu.memory_space<hbm>>
      %dma_wait3A_29 = arith.constant 0 : i32
      %dma_wait3A_30 = tpu.memref_slice %arg4[%mul3A_10, %dma_wait3A_29] : memref<8192x256xf32, #tpu.memory_space<hbm>> -> memref<128x256xf32, #tpu.memory_space<hbm>>
      tpu.wait_dma2 semaphore(%run_scoped3A : memref<!tpu.dma_semaphore, #tpu.memory_space<semaphore_mem>>) src(%arg6 : memref<128x256xf32, #tpu.memory_space<vmem>>) dst(%dma_wait3A_30 : memref<128x256xf32, #tpu.memory_space<hbm>>)
      tpu.yield
    }) : () -> ()
    %mul3A_11 = arith.constant 2 : i32
    %mul3A_12 = arith.muli %add3A, %mul3A_11 : i32
    %add3A_13 = arith.constant 1 : i32
    %add3A_14 = arith.addi %mul3A_12, %add3A_13 : i32
    "tpu.region"() ({
      %run_scoped3A = tpu.sem_alloc : memref<!tpu.dma_semaphore, #tpu.memory_space<semaphore_mem>>
      %dma_start3A_23 = arith.constant 0 : i32
      %dma_start3A_24 = tpu.memref_slice %arg3[%add3A_14, %dma_start3A_23] : memref<64x128xi32, #tpu.memory_space<hbm>> -> memref<1x128xi32, #tpu.memory_space<hbm>>
      %dma_start3A_25 = tpu.memref_squeeze %dma_start3A_24 : memref<1x128xi32, #tpu.memory_space<hbm>> -> memref<128xi32, #tpu.memory_space<hbm>>
      %dma_start3A_26 = arith.constant 0 : i32
      %dma_start3A_27 = tpu.memref_slice %arg3[%add3A_14, %dma_start3A_26] : memref<64x128xi32, #tpu.memory_space<hbm>> -> memref<1x128xi32, #tpu.memory_space<hbm>>
      %dma_start3A_28 = tpu.memref_squeeze %dma_start3A_27 : memref<1x128xi32, #tpu.memory_space<hbm>> -> memref<128xi32, #tpu.memory_space<hbm>>
      tpu.enqueue_dma source(%dma_start3A_28 : memref<128xi32, #tpu.memory_space<hbm>>) target(%arg5 : memref<128xi32, #tpu.memory_space<vmem>>) target_semaphore(%run_scoped3A : memref<!tpu.dma_semaphore, #tpu.memory_space<semaphore_mem>>)
      %dma_wait3A_29 = arith.constant 0 : i32
      %dma_wait3A_30 = tpu.memref_slice %arg3[%add3A_14, %dma_wait3A_29] : memref<64x128xi32, #tpu.memory_space<hbm>> -> memref<1x128xi32, #tpu.memory_space<hbm>>
      %dma_wait3A_31 = tpu.memref_squeeze %dma_wait3A_30 : memref<1x128xi32, #tpu.memory_space<hbm>> -> memref<128xi32, #tpu.memory_space<hbm>>
      %dma_wait3A_32 = arith.constant 0 : i32
      %dma_wait3A_33 = tpu.memref_slice %arg3[%add3A_14, %dma_wait3A_32] : memref<64x128xi32, #tpu.memory_space<hbm>> -> memref<1x128xi32, #tpu.memory_space<hbm>>
      %dma_wait3A_34 = tpu.memref_squeeze %dma_wait3A_33 : memref<1x128xi32, #tpu.memory_space<hbm>> -> memref<128xi32, #tpu.memory_space<hbm>>
      tpu.wait_dma2 semaphore(%run_scoped3A : memref<!tpu.dma_semaphore, #tpu.memory_space<semaphore_mem>>) src(%dma_wait3A_34 : memref<128xi32, #tpu.memory_space<hbm>>) dst(%arg5 : memref<128xi32, #tpu.memory_space<vmem>>)
      tpu.yield
    }) : () -> ()
    %dma_start3A_15 = arith.constant 0 : i32
    %dma_start3A_16 = arith.constant 0 : i32
    %dma_start3A_17 = tpu.memref_slice %arg2[%dma_start3A_15, %dma_start3A_16] : memref<8192x256xf32, #tpu.memory_space<hbm>> -> memref<8192x256xf32, #tpu.memory_space<hbm>>
    tpu.enqueue_indirect_dma source(%dma_start3A_17 : memref<8192x256xf32, #tpu.memory_space<hbm>>) target(%arg6 : memref<128x256xf32, #tpu.memory_space<vmem>>) offsets(%arg5 : memref<128xi32, #tpu.memory_space<vmem>>) semaphore(%arg7 : memref<!tpu.dma_semaphore, #tpu.memory_space<semaphore_mem>>)
    %dma_wait3A_18 = arith.constant 0 : i32
    %dma_wait3A_19 = arith.constant 0 : i32
    %dma_wait3A_20 = tpu.memref_slice %arg2[%dma_wait3A_18, %dma_wait3A_19] : memref<8192x256xf32, #tpu.memory_space<hbm>> -> memref<8192x256xf32, #tpu.memory_space<hbm>>
    tpu.wait_indirect_dma semaphore(%arg7 : memref<!tpu.dma_semaphore, #tpu.memory_space<semaphore_mem>>) src(%dma_wait3A_20 : memref<8192x256xf32, #tpu.memory_space<hbm>>) dst(%arg6 : memref<128x256xf32, #tpu.memory_space<vmem>>)
    %mul3A_21 = arith.constant 128 : i32
    %mul3A_22 = arith.muli %add3A_14, %mul3A_21 : i32
    "tpu.region"() ({
      %run_scoped3A = tpu.sem_alloc : memref<!tpu.dma_semaphore, #tpu.memory_space<semaphore_mem>>
      %dma_start3A_23 = arith.constant 0 : i32
      %dma_start3A_24 = tpu.memref_slice %arg4[%mul3A_22, %dma_start3A_23] : memref<8192x256xf32, #tpu.memory_space<hbm>> -> memref<128x256xf32, #tpu.memory_space<hbm>>
      %dma_start3A_25 = arith.constant 0 : i32
      %dma_start3A_26 = tpu.memref_slice %arg4[%mul3A_22, %dma_start3A_25] : memref<8192x256xf32, #tpu.memory_space<hbm>> -> memref<128x256xf32, #tpu.memory_space<hbm>>
      tpu.enqueue_dma source(%arg6 : memref<128x256xf32, #tpu.memory_space<vmem>>) target(%dma_start3A_26 : memref<128x256xf32, #tpu.memory_space<hbm>>) target_semaphore(%run_scoped3A : memref<!tpu.dma_semaphore, #tpu.memory_space<semaphore_mem>>)
      %dma_wait3A_27 = arith.constant 0 : i32
      %dma_wait3A_28 = tpu.memref_slice %arg4[%mul3A_22, %dma_wait3A_27] : memref<8192x256xf32, #tpu.memory_space<hbm>> -> memref<128x256xf32, #tpu.memory_space<hbm>>
      %dma_wait3A_29 = arith.constant 0 : i32
      %dma_wait3A_30 = tpu.memref_slice %arg4[%mul3A_22, %dma_wait3A_29] : memref<8192x256xf32, #tpu.memory_space<hbm>> -> memref<128x256xf32, #tpu.memory_space<hbm>>
      tpu.wait_dma2 semaphore(%run_scoped3A : memref<!tpu.dma_semaphore, #tpu.memory_space<semaphore_mem>>) src(%arg6 : memref<128x256xf32, #tpu.memory_space<vmem>>) dst(%dma_wait3A_30 : memref<128x256xf32, #tpu.memory_space<hbm>>)
      tpu.yield
    }) : () -> ()
    return
  }
}

module attributes {stable_mosaic.version = 14 : i64} {
  func.func @_dist_argmax_body(%arg0: i32, %arg1: memref<256x256xf32, #tpu.memory_space<vmem>>, %arg2: memref<8192x256xf32, #tpu.memory_space<vmem>>, %arg3: memref<1x1x256xi32, #tpu.memory_space<vmem>>) attributes {dimension_semantics = [#tpu.dimension_semantics<arbitrary>], iteration_bounds = array<i64: 32>, scalar_prefetch = 0 : i64, scratch_operands = 0 : i64, tpu.core_type = #tpu.core_type<tc>, window_params = [{transform_indices = @transform_0, window_bounds = array<i64: 256, 256>}, {pipeline_mode = #tpu.pipeline_mode<synchronous>, transform_indices = @transform_1, window_bounds = array<i64: 8192, 256>}, {transform_indices = @transform_2, window_bounds = array<i64: 1, 1, 256>}]} {
    %get3A = arith.constant 0 : index
    %get3A_0 = arith.constant 0 : index
    %get3A_1 = vector.load %arg1[%get3A, %get3A_0] : memref<256x256xf32, #tpu.memory_space<vmem>>, vector<256x256xf32>
    %get3A_2 = arith.constant 0 : index
    %get3A_3 = arith.constant 0 : index
    %get3A_4 = vector.load %arg2[%get3A_2, %get3A_3] : memref<8192x256xf32, #tpu.memory_space<vmem>>, vector<4096x256xf32>
    %dot_general3A = arith.constant dense<0.000000e+00> : vector<256x4096xf32>
    %dot_general3A_5 = tpu.matmul %get3A_1, %get3A_4, %dot_general3A {dimension_numbers = #tpu.dot_dimension_numbers<[1], [1], [0], [0], [0, 0, 1, 0], [], []>, transpose_lhs_hint = false} : vector<256x256xf32>, vector<4096x256xf32>, vector<256x4096xf32> -> vector<256x4096xf32>
    %reduce_max3A = arith.constant dense<0xFF800000> : vector<256xf32>
    %reduce_max3A_6 = vector.multi_reduction <maximumf>, %dot_general3A_5, %reduce_max3A [1] : vector<256x4096xf32> to vector<256xf32>
    %broadcast_in_dim3A = vector.shape_cast %reduce_max3A_6 : vector<256xf32> to vector<256x1xf32>
    %iota3A = tpu.iota {dimensions = array<i32: 1>} : vector<256x4096xi32>
    %eq3A = vector.broadcast %broadcast_in_dim3A : vector<256x1xf32> to vector<256x4096xf32>
    %eq3A_7 = arith.cmpf oeq, %dot_general3A_5, %eq3A : vector<256x4096xf32>
    %jit3A = arith.constant 1073741824 : i32
    %broadcast_in_dim3A_8 = vector.broadcast %jit3A : i32 to vector<256x4096xi32>
    %select_n3A = arith.select %eq3A_7, %iota3A, %broadcast_in_dim3A_8 : vector<256x4096xi1>, vector<256x4096xi32>
    %reduce_min3A = arith.constant dense<2147483647> : vector<256xi32>
    %reduce_min3A_9 = vector.multi_reduction <minsi>, %select_n3A, %reduce_min3A [1] : vector<256x4096xi32> to vector<256xi32>
    %broadcast_in_dim3A_10 = vector.shape_cast %reduce_min3A_9 : vector<256xi32> to vector<256x1xi32>
    %add3A = arith.constant 0 : i32
    %add3A_11 = vector.broadcast %add3A : i32 to vector<256x1xi32>
    %add3A_12 = arith.addi %broadcast_in_dim3A_10, %add3A_11 : vector<256x1xi32>
    %get3A_13 = arith.constant 4096 : index
    %get3A_14 = arith.constant 0 : index
    %get3A_15 = vector.load %arg2[%get3A_13, %get3A_14] : memref<8192x256xf32, #tpu.memory_space<vmem>>, vector<4096x256xf32>
    %dot_general3A_16 = arith.constant dense<0.000000e+00> : vector<256x4096xf32>
    %dot_general3A_17 = tpu.matmul %get3A_1, %get3A_15, %dot_general3A_16 {dimension_numbers = #tpu.dot_dimension_numbers<[1], [1], [0], [0], [0, 0, 1, 0], [], []>, transpose_lhs_hint = false} : vector<256x256xf32>, vector<4096x256xf32>, vector<256x4096xf32> -> vector<256x4096xf32>
    %reduce_max3A_18 = arith.constant dense<0xFF800000> : vector<256xf32>
    %reduce_max3A_19 = vector.multi_reduction <maximumf>, %dot_general3A_17, %reduce_max3A_18 [1] : vector<256x4096xf32> to vector<256xf32>
    %broadcast_in_dim3A_20 = vector.shape_cast %reduce_max3A_19 : vector<256xf32> to vector<256x1xf32>
    %iota3A_21 = tpu.iota {dimensions = array<i32: 1>} : vector<256x4096xi32>
    %eq3A_22 = vector.broadcast %broadcast_in_dim3A_20 : vector<256x1xf32> to vector<256x4096xf32>
    %eq3A_23 = arith.cmpf oeq, %dot_general3A_17, %eq3A_22 : vector<256x4096xf32>
    %jit3A_24 = arith.constant 1073741824 : i32
    %broadcast_in_dim3A_25 = vector.broadcast %jit3A_24 : i32 to vector<256x4096xi32>
    %select_n3A_26 = arith.select %eq3A_23, %iota3A_21, %broadcast_in_dim3A_25 : vector<256x4096xi1>, vector<256x4096xi32>
    %reduce_min3A_27 = arith.constant dense<2147483647> : vector<256xi32>
    %reduce_min3A_28 = vector.multi_reduction <minsi>, %select_n3A_26, %reduce_min3A_27 [1] : vector<256x4096xi32> to vector<256xi32>
    %broadcast_in_dim3A_29 = vector.shape_cast %reduce_min3A_28 : vector<256xi32> to vector<256x1xi32>
    %add3A_30 = arith.constant 4096 : i32
    %add3A_31 = vector.broadcast %add3A_30 : i32 to vector<256x1xi32>
    %add3A_32 = arith.addi %broadcast_in_dim3A_29, %add3A_31 : vector<256x1xi32>
    %convert_element_type3A = arith.truncf %broadcast_in_dim3A : vector<256x1xf32> to vector<256x1xbf16>
    %convert_element_type3A_33 = arith.extf %convert_element_type3A : vector<256x1xbf16> to vector<256x1xf32>
    %gt3A = arith.cmpf ogt, %broadcast_in_dim3A_20, %convert_element_type3A_33 : vector<256x1xf32>
    %select_n3A_34 = arith.select %gt3A, %add3A_32, %add3A_12 : vector<256x1xi1>, vector<256x1xi32>
    %squeeze3A = vector.shape_cast %select_n3A_34 : vector<256x1xi32> to vector<256xi32>
    %swap3A = arith.constant 0 : index
    %swap3A_35 = arith.constant 0 : index
    %swap3A_36 = arith.constant 0 : index
    %swap3A_37 = vector.load %arg3[%swap3A, %swap3A_35, %swap3A_36] : memref<1x1x256xi32, #tpu.memory_space<vmem>>, vector<1x1x256xi32>
    %swap3A_38 = vector.shape_cast %swap3A_37 : vector<1x1x256xi32> to vector<256xi32>
    %swap3A_39 = vector.shape_cast %squeeze3A : vector<256xi32> to vector<1x1x256xi32>
    tpu.vector_store %arg3[%swap3A, %swap3A_35, %swap3A_36], %swap3A_39 {strides = array<i32>} : memref<1x1x256xi32, #tpu.memory_space<vmem>>, vector<1x1x256xi32>,
    return
  }
  func.func @transform_0(%arg0: i32) -> (i32, i32) {
    %c0_i32 = arith.constant 0 : i32
    %c0_i32_0 = arith.constant 0 : i32
    return %arg0, %c0_i32 : i32, i32
  }
  func.func @transform_1(%arg0: i32) -> (i32, i32) {
    %c0_i32 = arith.constant 0 : i32
    %c0_i32_0 = arith.constant 0 : i32
    %c0_i32_1 = arith.constant 0 : i32
    return %c0_i32, %c0_i32_0 : i32, i32
  }
  func.func @transform_2(%arg0: i32) -> (i32, i32, i32) {
    %c0_i32 = arith.constant 0 : i32
    %c0_i32_0 = arith.constant 0 : i32
    %c0_i32_1 = arith.constant 0 : i32
    return %arg0, %c0_i32, %c0_i32_0 : i32, i32, i32
  }
}

</mosaic_0001>

<sc_bundles>
// kernel: kernel.4.cloned.1.call-start
scs
__scs_entry_jumppad:
0x0: {  	(pc) =	sbr.rel $0x88, $3  }
0x1: {  	(tag) =	ssettag $0x0;
	lr =	simm.s32 $0x1  }
0x2: {  	[smem:$0x3F9F] =	sst lr;
	_ =	strace $0xD0000000  }
0x3: {  	_ = 	snop  }
0x4: {  	_ = 	snop  }
0x5: {  	_ = 	snop  }
0x6: {  	_ = 	snop  }
0x7: {  	_ = 	snop  }
__scs_overlays_trampoline_lowered:
0x8: {  	[smem:$0x3FAE] =	sst s0  }
0x9: {  	[smem:$0x3FAF] =	sst s1  }
0xa: {  	[smem:$0x3FB0] =	sst s2  }
0xb: {  	[smem:$0x3FB1] =	sst s3  }
0xc: {  	[smem:$0x3FB2] =	sst s4  }
0xd: {  	[smem:$0x3FB3] =	sst s5  }
0xe: {  	[smem:$0x3FB4] =	sst s6  }
0xf: {  	[smem:$0x3FB5] =	sst s7  }
0x10: {  	[smem:$0x3FB6] =	sst s8  }
0x11: {  	[smem:$0x3FB7] =	sst s9;
	s0 =	simm.s32 @!p0 $0x0  }
0x12: {  	s1 =	sld [smem:$0x3F9D];
	s0 =	simm.s32 @p0 $0x1  }
0x13: {  	[smem:$0x3FB8] =	sst s0;
	s0 =	simm.s32 @!p1 $0x0  }
0x14: {  	s2 =	sld [smem:$0x3F9C];
	s0 =	simm.s32 @p1 $0x1  }
0x15: {  	[smem:$0x3FB9] =	sst s0;
	s0 =	simm.s32 @!p2 $0x0  }
0x16: {  	s3 =	sld [smem:$0x3FDB];
	s0 =	simm.s32 @p2 $0x1  }
0x17: {  	s4 =	simm.s32 $0x1BF5;
	[smem:$0x3FBB] =	sst s0  }
0x18: {  	s0 =	sld [smem:$0x3F9E];
	_ =	swait.ge [sflag:s4], $0x0  }
0x19: {  	s7 =	sld [smem:$0x3F9F]  }
0x1a: {  	s8 =	sadd.s32 $0xFFFFE003, lr  }
0x1b: {  	s9 =	sadd.s32 $0xFFFFFEF7, lr;
	s5 =	simm.s32 $0xFFFFFFFF;
	p2 =	slt.u32 s8, $0xFFFFF086  }
0x1c: {  	p1 =	slt.u32 s9, $0xF7A;
	s5 =	simm.s32 @!p2 $0x0  }
0x1d: {  	s5 =	simm.s32 @p1 $0x1;
	p0 =	seq.s32 s7, s2  }
0x1e: {  	s7 =	smul.u32 @!p0 $0xF7A, s2;
	p2 =	seq.s32 @!p0 s5, $0x0  }
0x1f: {  	s9 =	smul.u32 $0xF7A, s1;
	s8 =	simm.s32 @!p0 $0x1BF5;
	p2 =	por !p2, p0  }
0x20: {  	[sflag:s8] =	ssyncset.s32 @!p0 $0xFFFFF086;
	s6 =	sadd.s32 @!p0 s3, s7;
	s7 =	simm.s32 @!p0 $0x108  }
0x21: {  	s3 =	sadd.s32 s3, s9;
	s6 =	sadd.s32 @!p0 $0x88, s6;
	s7 =	simm.s32 @p2 $0x1082  }
0x22: {  	[simem:s7], [sflag:s8] =	dma.local @!p0 [hbm:s6], $0xF7A  }
0x23: {  	s9 =	sor.u32 $0xD0000000, s2;
	s6 =	simm.s32 $0x108;
	_ =	swait.ge @!p0 [sflag:s8], $0x0  }
0x24: {  	s3 =	sadd.s32 $0x88, s3;
	s6 =	simm.s32 @!p1 $0x1082;
	[sflag:s4] =	ssyncset.s32 $0xFFFFF086  }
0x25: {  	[simem:s6], [sflag:s4] =	dma.local [hbm:s3], $0xF7A  }
0x26: {  	[smem:$0x3F9F] =	sst s1;
	(tag) =	ssettag s2;
	_ =	strace s9  }
0x27: {  	s1 =	sld [smem:$0x3FAF]  }
0x28: {  	s2 =	sld [smem:$0x3FB0]  }
0x29: {  	s4 =	sld [smem:$0x3FB2]  }
0x2a: {  	p0 =	seq.s32 s5, $0x0;
	s5 =	sld [smem:$0x3FB3]  }
0x2b: {  	s6 =	sld [smem:$0x3FB4]  }
0x2c: {  	s7 =	sld [smem:$0x3FB5]  }
0x2d: {  	s3 =	simm.s32 $0x108;
	s8 =	sld [smem:$0x3FB6]  }
0x2e: {  	s3 =	simm.s32 @!p0 $0x1082;
	s9 =	sld [smem:$0x3FB7]  }
0x2f: {  	lr =	sadd.s32 s0, s3;
	s0 =	sld [smem:$0x3FAE]  }
0x30: {  	s3 =	sld [smem:$0x3FB1]  }
0x31: {  	[smem:$0x3FBA] =	sst s10  }
0x32: {  	s10 =	sld [smem:$0x3FB8];
	_ =	sdelay $0x3  }
0x33: {  	p0 =	seq.s32 s10, $0x1;
	s10 =	sld [smem:$0x3FBA];
	_ =	sdelay $0x3  }
0x34: {  	[smem:$0x3FBA] =	sst s10  }
0x35: {  	s10 =	sld [smem:$0x3FB9];
	_ =	sdelay $0x3  }
0x36: {  	p1 =	seq.s32 s10, $0x1;
	s10 =	sld [smem:$0x3FBA];
	_ =	sdelay $0x3  }
0x37: {  	[smem:$0x3FBA] =	sst s10  }
0x38: {  	s10 =	sld [smem:$0x3FBB]  }
0x39: {  	_ = 	snop;
	(pc) =	sbr.ind lr, $3  }
0x3a: {  	_ = 	snop  }
0x3b: {  	_ = 	snop  }
0x3c: {  	p2 =	seq.s32 s10, $0x1;
	s10 =	sld [smem:$0x3FBA]  }
0x3d: {  	_ =	shalt  }
0x3e: {  	_ =	shalt  }
0x3f: {  	_ =	shalt  }
0x40: {  	_ =	shalt  }
0x41: {  	_ =	shalt  }
0x42: {  	_ =	shalt  }
0x43: {  	_ =	shalt  }
0x44: {  	_ =	shalt  }
0x45: {  	_ =	shalt  }
0x46: {  	_ =	shalt  }
0x47: {  	_ =	shalt  }
0x48: {  	_ =	shalt  }
0x49: {  	_ =	shalt  }
0x4a: {  	_ =	shalt  }
0x4b: {  	_ =	shalt  }
0x4c: {  	_ =	shalt  }
0x4d: {  	_ =	shalt  }
0x4e: {  	_ =	shalt  }
0x4f: {  	_ =	shalt  }
0x50: {  	_ =	shalt  }
0x51: {  	_ =	shalt  }
0x52: {  	_ =	shalt  }
0x53: {  	_ =	shalt  }
0x54: {  	_ =	shalt  }
0x55: {  	_ =	shalt  }
0x56: {  	_ =	shalt  }
0x57: {  	_ =	shalt  }
0x58: {  	_ =	shalt  }
0x59: {  	_ =	shalt  }
0x5a: {  	_ =	shalt  }
0x5b: {  	_ =	shalt  }
0x5c: {  	_ =	shalt  }
0x5d: {  	_ =	shalt  }
0x5e: {  	_ =	shalt  }
0x5f: {  	_ =	shalt  }
0x60: {  	_ =	shalt  }
0x61: {  	_ =	shalt  }
0x62: {  	_ =	shalt  }
0x63: {  	_ =	shalt  }
0x64: {  	_ =	shalt  }
0x65: {  	_ =	shalt  }
0x66: {  	_ =	shalt  }
0x67: {  	_ =	shalt  }
0x68: {  	_ =	shalt  }
0x69: {  	_ =	shalt  }
0x6a: {  	_ =	shalt  }
0x6b: {  	_ =	shalt  }
0x6c: {  	_ =	shalt  }
0x6d: {  	_ =	shalt  }
0x6e: {  	_ =	shalt  }
0x6f: {  	_ =	shalt  }
0x70: {  	_ =	shalt  }
0x71: {  	_ =	shalt  }
0x72: {  	_ =	shalt  }
0x73: {  	_ =	shalt  }
0x74: {  	_ =	shalt  }
0x75: {  	_ =	shalt  }
0x76: {  	_ =	shalt  }
0x77: {  	_ =	shalt  }
0x78: {  	_ =	shalt  }
0x79: {  	_ =	shalt  }
0x7a: {  	_ =	shalt  }
0x7b: {  	_ =	shalt  }
0x7c: {  	_ =	shalt  }
0x7d: {  	_ =	shalt  }
0x7e: {  	_ =	shalt  }
0x7f: {  	_ =	shalt  }
0x80: {  	_ =	shalt  }
0x81: {  	_ =	shalt  }
0x82: {  	_ =	shalt  }
0x83: {  	_ =	shalt  }
0x84: {  	_ =	shalt  }
0x85: {  	_ =	shalt  }
0x86: {  	_ =	shalt  }
0x87: {  	_ =	shalt  }
.Lfunc_end0:
.L_simem_size_0:
called_computation_lowered:
.L_overlay_start_0:
0x88: {  	s2 =	sld [smem:$0x3FD9]  }
0x89: {  	s3 =	sld [smem:$0x3FFE];
	_ =	sdelay $0x1  }
0x8a: {  	s1 =	srdreg.scid  }
0x8b: {  	s0 =	sand.u32 $0x1, s1  }
0x8c: {  	s14 =	sshll.u32 s0, $0xA;
	s2 =	sadd.s32 s3, s2  }
0x8d: {  	s2 =	sadd.s32 s2, s14  }
0x8e: {  	[smem:$0x3FC6] =	sst s2  }
0x8f: {  	_ = 	snop  }
0x90: {  	s2 =	sld [smem:$0x3FD0];
	_ =	sdelay $0x2  }
0x91: {  	s4 =	simm.s32 $0xA;
	s5 =	simm.s32 $0x10;
	s15 =	sld [smem:$0x3FC8]  }
0x92: {  	[smem:s5], [sflag:s4] =	dma.local [hbm:s2], $0x1  }
0x93: {  	_ =	swait.eq [sflag:s4], $0x1  }
0x94: {  	[sflag:s4] =	ssyncset.done $0x0  }
0x95: {  	[sflag:s4] =	ssyncadd.s32 $0xFFFFFFFF  }
0x96: {  	s16 =	sld [smem:$0x10];
	(tm) =	ssettm $0x1  }
0x97: {  	s17 =	sld [smem:$0x3FFB];
	_ =	sdelay $0x3  }
0x98: {  	_ =	strace s17  }
0x99: {  	s4 =	sld [smem:$0x3FFC];
	_ =	sdelay $0x3  }
0x9a: {  	_ =	strace s4  }
0x9b: {  	s4 =	sld [smem:$0x3FFD];
	_ =	sdelay $0x3  }
0x9c: {  	_ =	strace s4  }
0x9d: {  	_ =	strace $0x8FFFFFFF  }
0x9e: {  	s18 =	sld [smem:$0x3FDB];
	_ =	sdelay $0x1  }
0x9f: {  	s19 =	simm.s32 $_scs_section_size  }
0xa0: {  	s6 =	simm.s32 $_size__tile_overlayer_lowered;
	s7 =	simm.s32 $_tile_overlayer_lowered  }
0xa1: {  	s22 =	simm.s32 $0x1BFF;
	s21 =	sshll.u32 s7, $0x1;
	s4 =	sadd.s32 s19, s18  }
0xa2: {  	s8 =	simm.s32 $0x0;
	s20 =	sshll.u32 s6, $0x1;
	s6 =	sadd.s32 s21, s4  }
0xa3: {  	[timem:s8], [sflag:s22] =	dma.local [hbm:s6], s20  }
0xa4: {  	_ =	swait.ge [sflag:s22], s20  }
0xa5: {  	s5 =	ssub.s32 $0x0, s20;
	[sflag:s22] =	ssyncset.done $0x0  }
0xa6: {  	[sflag:s22] =	ssyncadd.s32 s5;
	_ =	sdelay $0x1  }
0xa7: {  	s23 =	simm.s32 $0x1B8B  }
0xa8: {  	_ =	swait.ge [sflag:s23], $0x1  }
0xa9: {  	[sflag:s23] =	ssyncset.done $0x0  }
0xaa: {  	s25 =	simm.s32 $0x1B8E;
	s24 =	sld [smem:$0x3FFE];
	[sflag:s23] =	ssyncadd.s32 $0xFFFFFFFF  }
0xab: {  	s26 =	simm.s32 $execute0_lowered;
	[smem:$0x3FD2] =	sst s25  }
0xac: {  	s6 =	sshll.u32 s26, $0x1;
	_ =	strace $0x80000046;
	[dreg:$0x1] =	wrdreg $0xFFFFFFFF  }
0xad: {  	s28 =	simm.s32 $_size_execute0_lowered;
	s4 =	sadd.s32 s4, s6;
	[dreg:$0x0] =	wrdreg $0x0  }
0xae: {  	s6 =	sshll.u32 s28, $0x1;
	[dreg:$0x2] =	wrdreg s4  }
0xaf: {  	[dreg:$0x3] =	wrdreg s6  }
0xb0: {  	[dreg:$0x4] =	wrdreg $0xC0  }
0xb1: {  	_ =	task [dreg:s8], $0x5FFFF  }
0xb2: {  	[dreg:$0x1] =	wrdreg $0xFFFFFFFF  }
0xb3: {  	[dreg:$0x0] =	wrdreg $0x60  }
0xb4: {  	[dreg:$0x2] =	wrdreg s15  }
0xb5: {  	[dreg:$0x3] =	wrdreg s24  }
0xb6: {  	[dreg:$0x4] =	wrdreg s16  }
0xb7: {  	[dreg:$0x5] =	wrdreg $0x9  }
0xb8: {  	_ =	task.clear_ibuf [dreg:s8], $0x6FFFF;
	_ =	strace $0x90000046  }
0xb9: {  	s29 =	simm.s32 $0x9;
	_ =	strace $0x80000048  }
0xba: {  	_ =	swait.ge [sflag:s29], $0x1  }
0xbb: {  	[sflag:s29] =	ssyncadd.s32 $0xFFFFFFFF  }
0xbc: {  	_ =	strace $0x90000048  }
0xbd: {  	_ =	sfence  }
0xbe: {  	s30 =	sld [smem:$0x0];
	_ =	sdelay $0x2  }
0xbf: {  	s31 =	sshll.u32 s1, $0xD;
	s1 =	sshrl.u32 s1, $0x2  }
0xc0: {  	s3 =	sand.u32 $0x4000, s31;
	s1 =	sadd.s32 s1, s30  }
0xc1: {  	s0 =	sor.u32 s3, s0;
	s1 =	sshll.u32 s1, $0x11  }
0xc2: {  	s0 =	sor.u32 s1, s0  }
0xc3: {  	s0 =	sadd.s32 $0x8F2B, s0  }
0xc4: {  	[sflag:s0] =	ssyncadd.remote.s32 $0x1  }
0xc5: {  	_ =	sfence.sel $0xFFFF  }
0xc6: {  	[dreg:$0x0] =	wrdreg $0xFFFFFFFF;
	(pc) =	sbr.abs _section_cstart, $3  }
0xc7: {  	[dreg:$0x1] =	wrdreg $0xFFFFFFFF  }
0xc8: {  	_ =	task.clear_ibuf [dreg:s8], $0x2FFFF;
	_ =	strace $0x9FFFFFFF  }
0xc9: {  	(tm) =	ssettm $0x7FFFFFFF  }
tec
execute0_lowered:
.L_overlay_start_1:
0x0: {  	(tag) =	ssettag $0x1  }
0x1: {  	s1 =	rddreg [dreg:$0x0]  }
0x2: {  	s6 =	rddreg [dreg:$0x1]  }
0x3: {  	s7 =	rddreg [dreg:$0x2]  }
0x4: {  	s0 =	rddreg [dreg:$0x3];
	s2 =	simm.s32 $0x0  }
0x5: {  	s3 =	srdreg.scid;
	s12 =	simm.s32 $0x1080;
	s13 =	simm.s32 $0x1880  }
0x6: {  	s14 =	simm.s32 $0x2080;
	s15 =	simm.s32 $0x2880;
	s16 =	simm.s32 $0x3080  }
0x7: {  	s17 =	simm.s32 $0x3880;
	s18 =	simm.s32 $0x4080;
	s19 =	simm.s32 $0x4880  }
0x8: {  	s20 =	simm.s32 $0x5080;
	s21 =	simm.s32 $0x5880;
	s22 =	simm.s32 $0x6080  }
0x9: {  	s23 =	simm.s32 $0x6880;
	s24 =	simm.s32 $0x7080;
	s25 =	simm.s32 $0x7880  }
0xa: {  	[smem:$0x7FF] =	sst s2;
	s4 =	sand.u32 $0x1, s3;
	s3 =	stileid.u32  }
0xb: {  	_ =	strace $0x80000047;
	s5 =	ssub.s32 $0x2, s4;
	s9 =	sshll.u32 s3, $0x1  }
0xc: {  	s10 =	sshll.u32 s3, $0x6;
	s8 =	sshrl.u32 s5, $0x1;
	s4 =	sor.u32 s4, s9  }
0xd: {  	s26 =	sand.u32 $0x380, s10;
	s9 =	simm.s32 $0x2;
	s8 =	ssub.s32 s5, s8  }
0xe: {  	s28 =	sshll.u32 s4, $0x5;
	s29 =	sshll.u32 s4, $0xD;
	s11 =	sshllo.u32 s4, $0x1  }
0xf: {  	s4 =	sadd.s32 s6, s28;
	s5 =	sadd.s32 s7, s29;
	s30 =	sshll.u32 s11, $0x4  }
0x10: {  	v2 =	vlaneseq.u32;
	s6 =	sadd.s32 s6, s26;
	s31 =	sshll.u32 s11, $0xC;
	s8 =	smax.u32 s8, $0x1  }
0x11: {  	vm0 =	vmmov $0xffff;
	v1 =	vshrl.u32 v2, $0x3;
	s11 =	simm.s32 $0x880;
	s26 =	simm.s32 $0x1;
	s10 =	sand.u32 $0x70, s30  }
0x12: {  	v0 =	vand.u32 $0x7, v2;
	v2 =	vor.u32 $0x8, v2;
	v1 =	vmul.u32 $0x8, v1;
	s7 =	sadd.s32 s7, s31;
	s6 =	sadd.s32 s10, s6;
	s10 =	simm.s32 $0x80  }
.LBB2_1:
0x13: {  	[tilespmem:s2], [sflag:$0x2] =	stream.linear.gather [hbm4b:s4+s2], $0x80, $0x38;
	[tilespmem:$0x8080] =	vst v63  }
0x14: {  	_ =	swait.ge [sflag:s9], $0x80  }
0x15: {  	[sflag:s9] =	ssyncset.done $0x0  }
0x16: {  	[sflag:s9] =	ssyncadd.s32 $0xFFFFFF80  }
0x17: {  	v3 =	vld [tilespmem:$0x0];
	_ =	sdelay $0x4  }
0x18: {  	v4 =	vshll.u32 v3, $0x1  }
0x19: {  	v3 =	vand.u32 $0x7, v3;
	v4 =	vand.u32 $0xFFFFFFF0, v4  }
0x1a: {  	v3 =	vor.u32 v3, v4  }
0x1b: {  	v4 =	vperm.xlane v3, v0;
	_ =	sdelay $0x1  }
0x1c: {  	v3 =	vperm.xlane v3, v2;
	v4 =	vadd.s32 v1, v4;
	_ =	sdelay $0x1  }
0x1d: {  	v3 =	vadd.s32 v1, v3;
	_ =	sdelay $0x2  }
0x1e: {  	[tilespmem:s10], [sflag:$0x1] =	stream.indirect_vreg.gather [hbm4b:s1+s2], $0x80, v4, vm0, $0xb8;
	[tilespmem:$0x8080] =	vst v63  }
0x1f: {  	_ = 	snop  }
0x20: {  	[tilespmem:s11], [sflag:$0x1] =	stream.indirect_vreg.gather [hbm4b:s1+s2], $0x80, v3, vm0, $0xb8;
	[tilespmem:$0x8080] =	vst v63  }
0x21: {  	v3 =	vld [tilespmem:$0x10];
	_ =	sdelay $0x4  }
0x22: {  	v49 =	vshll.u32 v3, $0x1  }
0x23: {  	v3 =	vand.u32 $0x7, v3;
	v4 =	vand.u32 $0xFFFFFFF0, v49  }
0x24: {  	v3 =	vor.u32 v3, v4  }
0x25: {  	v4 =	vperm.xlane v3, v0;
	_ =	sdelay $0x1  }
0x26: {  	v3 =	vperm.xlane v3, v2;
	v4 =	vadd.s32 v1, v4;
	_ =	sdelay $0x1  }
0x27: {  	v3 =	vadd.s32 v1, v3;
	_ =	sdelay $0x2  }
0x28: {  	[tilespmem:s12], [sflag:$0x1] =	stream.indirect_vreg.gather [hbm4b:s1+s2], $0x80, v4, vm0, $0xb8;
	[tilespmem:$0x8080] =	vst v63  }
0x29: {  	_ = 	snop  }
0x2a: {  	[tilespmem:s13], [sflag:$0x1] =	stream.indirect_vreg.gather [hbm4b:s1+s2], $0x80, v3, vm0, $0xb8;
	[tilespmem:$0x8080] =	vst v63  }
0x2b: {  	v3 =	vld [tilespmem:$0x20];
	_ =	sdelay $0x4  }
0x2c: {  	v50 =	vshll.u32 v3, $0x1  }
0x2d: {  	v3 =	vand.u32 $0x7, v3;
	v4 =	vand.u32 $0xFFFFFFF0, v50  }
0x2e: {  	v3 =	vor.u32 v3, v4  }
0x2f: {  	v4 =	vperm.xlane v3, v0;
	_ =	sdelay $0x1  }
0x30: {  	v3 =	vperm.xlane v3, v2;
	v4 =	vadd.s32 v1, v4;
	_ =	sdelay $0x1  }
0x31: {  	v3 =	vadd.s32 v1, v3;
	_ =	sdelay $0x2  }
0x32: {  	[tilespmem:s14], [sflag:$0x1] =	stream.indirect_vreg.gather [hbm4b:s1+s2], $0x80, v4, vm0, $0xb8;
	[tilespmem:$0x8080] =	vst v63  }
0x33: {  	_ = 	snop  }
0x34: {  	[tilespmem:s15], [sflag:$0x1] =	stream.indirect_vreg.gather [hbm4b:s1+s2], $0x80, v3, vm0, $0xb8;
	[tilespmem:$0x8080] =	vst v63  }
0x35: {  	v3 =	vld [tilespmem:$0x30];
	_ =	sdelay $0x4  }
0x36: {  	v51 =	vshll.u32 v3, $0x1  }
0x37: {  	v3 =	vand.u32 $0x7, v3;
	v4 =	vand.u32 $0xFFFFFFF0, v51  }
0x38: {  	v3 =	vor.u32 v3, v4  }
0x39: {  	v4 =	vperm.xlane v3, v0;
	_ =	sdelay $0x1  }
0x3a: {  	v3 =	vperm.xlane v3, v2;
	v4 =	vadd.s32 v1, v4;
	_ =	sdelay $0x1  }
0x3b: {  	v3 =	vadd.s32 v1, v3;
	_ =	sdelay $0x2  }
0x3c: {  	[tilespmem:s16], [sflag:$0x1] =	stream.indirect_vreg.gather [hbm4b:s1+s2], $0x80, v4, vm0, $0xb8;
	[tilespmem:$0x8080] =	vst v63  }
0x3d: {  	_ = 	snop  }
0x3e: {  	[tilespmem:s17], [sflag:$0x1] =	stream.indirect_vreg.gather [hbm4b:s1+s2], $0x80, v3, vm0, $0xb8;
	[tilespmem:$0x8080] =	vst v63  }
0x3f: {  	v3 =	vld [tilespmem:$0x40];
	_ =	sdelay $0x4  }
0x40: {  	v52 =	vshll.u32 v3, $0x1  }
0x41: {  	v3 =	vand.u32 $0x7, v3;
	v4 =	vand.u32 $0xFFFFFFF0, v52  }
0x42: {  	v3 =	vor.u32 v3, v4  }
0x43: {  	v4 =	vperm.xlane v3, v0;
	_ =	sdelay $0x1  }
0x44: {  	v3 =	vperm.xlane v3, v2;
	v4 =	vadd.s32 v1, v4;
	_ =	sdelay $0x1  }
0x45: {  	v3 =	vadd.s32 v1, v3;
	_ =	sdelay $0x2  }
0x46: {  	[tilespmem:s18], [sflag:$0x1] =	stream.indirect_vreg.gather [hbm4b:s1+s2], $0x80, v4, vm0, $0xb8;
	[tilespmem:$0x8080] =	vst v63  }
0x47: {  	_ = 	snop  }
0x48: {  	[tilespmem:s19], [sflag:$0x1] =	stream.indirect_vreg.gather [hbm4b:s1+s2], $0x80, v3, vm0, $0xb8;
	[tilespmem:$0x8080] =	vst v63  }
0x49: {  	v3 =	vld [tilespmem:$0x50];
	_ =	sdelay $0x4  }
0x4a: {  	v53 =	vshll.u32 v3, $0x1  }
0x4b: {  	v3 =	vand.u32 $0x7, v3;
	v4 =	vand.u32 $0xFFFFFFF0, v53  }
0x4c: {  	v3 =	vor.u32 v3, v4  }
0x4d: {  	v4 =	vperm.xlane v3, v0;
	_ =	sdelay $0x1  }
0x4e: {  	v3 =	vperm.xlane v3, v2;
	v4 =	vadd.s32 v1, v4;
	_ =	sdelay $0x1  }
0x4f: {  	v3 =	vadd.s32 v1, v3;
	_ =	sdelay $0x2  }
0x50: {  	[tilespmem:s20], [sflag:$0x1] =	stream.indirect_vreg.gather [hbm4b:s1+s2], $0x80, v4, vm0, $0xb8;
	[tilespmem:$0x8080] =	vst v63  }
0x51: {  	_ = 	snop  }
0x52: {  	[tilespmem:s21], [sflag:$0x1] =	stream.indirect_vreg.gather [hbm4b:s1+s2], $0x80, v3, vm0, $0xb8;
	[tilespmem:$0x8080] =	vst v63  }
0x53: {  	v3 =	vld [tilespmem:$0x60];
	_ =	sdelay $0x4  }
0x54: {  	v54 =	vshll.u32 v3, $0x1  }
0x55: {  	v3 =	vand.u32 $0x7, v3;
	v4 =	vand.u32 $0xFFFFFFF0, v54  }
0x56: {  	v3 =	vor.u32 v3, v4  }
0x57: {  	v4 =	vperm.xlane v3, v0;
	_ =	sdelay $0x1  }
0x58: {  	v3 =	vperm.xlane v3, v2;
	v4 =	vadd.s32 v1, v4;
	_ =	sdelay $0x1  }
0x59: {  	v3 =	vadd.s32 v1, v3;
	_ =	sdelay $0x2  }
0x5a: {  	[tilespmem:s22], [sflag:$0x1] =	stream.indirect_vreg.gather [hbm4b:s1+s2], $0x80, v4, vm0, $0xb8;
	[tilespmem:$0x8080] =	vst v63  }
0x5b: {  	_ = 	snop  }
0x5c: {  	[tilespmem:s23], [sflag:$0x1] =	stream.indirect_vreg.gather [hbm4b:s1+s2], $0x80, v3, vm0, $0xb8;
	[tilespmem:$0x8080] =	vst v63  }
0x5d: {  	v3 =	vld [tilespmem:$0x70];
	_ =	sdelay $0x4  }
0x5e: {  	v55 =	vshll.u32 v3, $0x1  }
0x5f: {  	v3 =	vand.u32 $0x7, v3;
	v4 =	vand.u32 $0xFFFFFFF0, v55  }
0x60: {  	v3 =	vor.u32 v3, v4  }
0x61: {  	v4 =	vperm.xlane v3, v0;
	_ =	sdelay $0x1  }
0x62: {  	v3 =	vperm.xlane v3, v2;
	v4 =	vadd.s32 v1, v4;
	_ =	sdelay $0x1  }
0x63: {  	v3 =	vadd.s32 v1, v3;
	_ =	sdelay $0x2  }
0x64: {  	[tilespmem:s24], [sflag:$0x1] =	stream.indirect_vreg.gather [hbm4b:s1+s2], $0x80, v4, vm0, $0xb8;
	[tilespmem:$0x8080] =	vst v63  }
0x65: {  	_ = 	snop  }
0x66: {  	[tilespmem:s25], [sflag:$0x1] =	stream.indirect_vreg.gather [hbm4b:s1+s2], $0x80, v3, vm0, $0xb8;
	[tilespmem:$0x8080] =	vst v63  }
0x67: {  	_ =	swait.ge [sflag:s26], $0x8000  }
0x68: {  	[sflag:s26] =	ssyncset.done $0x0  }
0x69: {  	[sflag:s26] =	ssyncadd.s32 $0xFFFF8000  }
0x6a: {  	[hbm4b:s5+s2] =	stream.linear.scatter [tilespmem:s10], [sflag:$0x2], $0x8000, $0x38;
	[tilespmem:$0x8080] =	vst v63  }
0x6b: {  	_ =	swait.ge [sflag:s9], $0x8000  }
0x6c: {  	[sflag:s9] =	ssyncset.done $0x0  }
0x6d: {  	[sflag:s9] =	ssyncadd.s32 $0xFFFF8000  }
0x6e: {  	[tilespmem:s2], [sflag:$0x2] =	stream.linear.gather [hbm4b:s6+s2], $0x80, $0x38;
	[tilespmem:$0x8080] =	vst v63  }
0x6f: {  	_ =	swait.ge [sflag:s9], $0x80  }
0x70: {  	[sflag:s9] =	ssyncset.done $0x0  }
0x71: {  	[sflag:s9] =	ssyncadd.s32 $0xFFFFFF80  }
0x72: {  	v3 =	vld [tilespmem:$0x0];
	_ =	sdelay $0x4  }
0x73: {  	v56 =	vshll.u32 v3, $0x1  }
0x74: {  	v3 =	vand.u32 $0x7, v3;
	v4 =	vand.u32 $0xFFFFFFF0, v56  }
0x75: {  	v3 =	vor.u32 v3, v4  }
0x76: {  	v4 =	vperm.xlane v3, v0;
	_ =	sdelay $0x1  }
0x77: {  	v3 =	vperm.xlane v3, v2;
	v4 =	vadd.s32 v1, v4;
	_ =	sdelay $0x1  }
0x78: {  	v3 =	vadd.s32 v1, v3;
	_ =	sdelay $0x2  }
0x79: {  	[tilespmem:s10], [sflag:$0x1] =	stream.indirect_vreg.gather [hbm4b:s1+s2], $0x80, v4, vm0, $0xb8;
	[tilespmem:$0x8080] =	vst v63  }
0x7a: {  	_ = 	snop  }
0x7b: {  	[tilespmem:s11], [sflag:$0x1] =	stream.indirect_vreg.gather [hbm4b:s1+s2], $0x80, v3, vm0, $0xb8;
	[tilespmem:$0x8080] =	vst v63  }
0x7c: {  	v3 =	vld [tilespmem:$0x10];
	_ =	sdelay $0x4  }
0x7d: {  	v57 =	vshll.u32 v3, $0x1  }
0x7e: {  	v3 =	vand.u32 $0x7, v3;
	v4 =	vand.u32 $0xFFFFFFF0, v57  }
0x7f: {  	v3 =	vor.u32 v3, v4  }
0x80: {  	v4 =	vperm.xlane v3, v0;
	_ =	sdelay $0x1  }
0x81: {  	v3 =	vperm.xlane v3, v2;
	v4 =	vadd.s32 v1, v4;
	_ =	sdelay $0x1  }
0x82: {  	v3 =	vadd.s32 v1, v3;
	_ =	sdelay $0x2  }
0x83: {  	[tilespmem:s12], [sflag:$0x1] =	stream.indirect_vreg.gather [hbm4b:s1+s2], $0x80, v4, vm0, $0xb8;
	[tilespmem:$0x8080] =	vst v63  }
0x84: {  	_ = 	snop  }
0x85: {  	[tilespmem:s13], [sflag:$0x1] =	stream.indirect_vreg.gather [hbm4b:s1+s2], $0x80, v3, vm0, $0xb8;
	[tilespmem:$0x8080] =	vst v63  }
0x86: {  	v3 =	vld [tilespmem:$0x20];
	_ =	sdelay $0x4  }
0x87: {  	v58 =	vshll.u32 v3, $0x1  }
0x88: {  	v3 =	vand.u32 $0x7, v3;
	v4 =	vand.u32 $0xFFFFFFF0, v58  }
0x89: {  	v3 =	vor.u32 v3, v4  }
0x8a: {  	v4 =	vperm.xlane v3, v0;
	_ =	sdelay $0x1  }
0x8b: {  	v3 =	vperm.xlane v3, v2;
	v4 =	vadd.s32 v1, v4;
	_ =	sdelay $0x1  }
0x8c: {  	v3 =	vadd.s32 v1, v3;
	_ =	sdelay $0x2  }
0x8d: {  	[tilespmem:s14], [sflag:$0x1] =	stream.indirect_vreg.gather [hbm4b:s1+s2], $0x80, v4, vm0, $0xb8;
	[tilespmem:$0x8080] =	vst v63  }
0x8e: {  	_ = 	snop  }
0x8f: {  	[tilespmem:s15], [sflag:$0x1] =	stream.indirect_vreg.gather [hbm4b:s1+s2], $0x80, v3, vm0, $0xb8;
	[tilespmem:$0x8080] =	vst v63  }
0x90: {  	v3 =	vld [tilespmem:$0x30];
	_ =	sdelay $0x4  }
0x91: {  	v59 =	vshll.u32 v3, $0x1  }
0x92: {  	v3 =	vand.u32 $0x7, v3;
	v4 =	vand.u32 $0xFFFFFFF0, v59  }
0x93: {  	v3 =	vor.u32 v3, v4  }
0x94: {  	v4 =	vperm.xlane v3, v0;
	_ =	sdelay $0x1  }
0x95: {  	v3 =	vperm.xlane v3, v2;
	v4 =	vadd.s32 v1, v4;
	_ =	sdelay $0x1  }
0x96: {  	v3 =	vadd.s32 v1, v3;
	_ =	sdelay $0x2  }
0x97: {  	[tilespmem:s16], [sflag:$0x1] =	stream.indirect_vreg.gather [hbm4b:s1+s2], $0x80, v4, vm0, $0xb8;
	[tilespmem:$0x8080] =	vst v63  }
0x98: {  	_ = 	snop  }
0x99: {  	[tilespmem:s17], [sflag:$0x1] =	stream.indirect_vreg.gather [hbm4b:s1+s2], $0x80, v3, vm0, $0xb8;
	[tilespmem:$0x8080] =	vst v63  }
0x9a: {  	v3 =	vld [tilespmem:$0x40];
	_ =	sdelay $0x4  }
0x9b: {  	v60 =	vshll.u32 v3, $0x1  }
0x9c: {  	v3 =	vand.u32 $0x7, v3;
	v4 =	vand.u32 $0xFFFFFFF0, v60  }
0x9d: {  	v3 =	vor.u32 v3, v4  }
0x9e: {  	v4 =	vperm.xlane v3, v0;
	_ =	sdelay $0x1  }
0x9f: {  	v3 =	vperm.xlane v3, v2;
	v4 =	vadd.s32 v1, v4;
	_ =	sdelay $0x1  }
0xa0: {  	v3 =	vadd.s32 v1, v3;
	_ =	sdelay $0x2  }
0xa1: {  	[tilespmem:s18], [sflag:$0x1] =	stream.indirect_vreg.gather [hbm4b:s1+s2], $0x80, v4, vm0, $0xb8;
	[tilespmem:$0x8080] =	vst v63  }
0xa2: {  	_ = 	snop  }
0xa3: {  	[tilespmem:s19], [sflag:$0x1] =	stream.indirect_vreg.gather [hbm4b:s1+s2], $0x80, v3, vm0, $0xb8;
	[tilespmem:$0x8080] =	vst v63  }
0xa4: {  	v3 =	vld [tilespmem:$0x50];
	_ =	sdelay $0x4  }
0xa5: {  	v61 =	vshll.u32 v3, $0x1  }
0xa6: {  	v3 =	vand.u32 $0x7, v3;
	v4 =	vand.u32 $0xFFFFFFF0, v61  }
0xa7: {  	v3 =	vor.u32 v3, v4  }
0xa8: {  	v4 =	vperm.xlane v3, v0;
	_ =	sdelay $0x1  }
0xa9: {  	v3 =	vperm.xlane v3, v2;
	v4 =	vadd.s32 v1, v4;
	_ =	sdelay $0x1  }
0xaa: {  	v3 =	vadd.s32 v1, v3;
	_ =	sdelay $0x2  }
0xab: {  	[tilespmem:s20], [sflag:$0x1] =	stream.indirect_vreg.gather [hbm4b:s1+s2], $0x80, v4, vm0, $0xb8;
	[tilespmem:$0x8080] =	vst v63  }
0xac: {  	_ = 	snop  }
0xad: {  	[tilespmem:s21], [sflag:$0x1] =	stream.indirect_vreg.gather [hbm4b:s1+s2], $0x80, v3, vm0, $0xb8;
	[tilespmem:$0x8080] =	vst v63  }
0xae: {  	v3 =	vld [tilespmem:$0x60];
	_ =	sdelay $0x4  }
0xaf: {  	v62 =	vshll.u32 v3, $0x1  }
0xb0: {  	v3 =	vand.u32 $0x7, v3;
	v4 =	vand.u32 $0xFFFFFFF0, v62  }
0xb1: {  	v3 =	vor.u32 v3, v4  }
0xb2: {  	v4 =	vperm.xlane v3, v0;
	_ =	sdelay $0x1  }
0xb3: {  	v3 =	vperm.xlane v3, v2;
	v4 =	vadd.s32 v1, v4;
	_ =	sdelay $0x1  }
0xb4: {  	v3 =	vadd.s32 v1, v3;
	_ =	sdelay $0x2  }
0xb5: {  	[tilespmem:s22], [sflag:$0x1] =	stream.indirect_vreg.gather [hbm4b:s1+s2], $0x80, v4, vm0, $0xb8;
	[tilespmem:$0x8080] =	vst v63  }
0xb6: {  	_ = 	snop  }
0xb7: {  	[tilespmem:s23], [sflag:$0x1] =	stream.indirect_vreg.gather [hbm4b:s1+s2], $0x80, v3, vm0, $0xb8;
	[tilespmem:$0x8080] =	vst v63  }
0xb8: {  	v3 =	vld [tilespmem:$0x70];
	_ =	sdelay $0x4  }
0xb9: {  	v63 =	vshll.u32 v3, $0x1  }
0xba: {  	v3 =	vand.u32 $0x7, v3;
	v4 =	vand.u32 $0xFFFFFFF0, v63  }
0xbb: {  	v3 =	vor.u32 v3, v4  }
0xbc: {  	v4 =	vperm.xlane v3, v0;
	_ =	sdelay $0x1  }
0xbd: {  	v3 =	vperm.xlane v3, v2;
	v4 =	vadd.s32 v1, v4;
	_ =	sdelay $0x1  }
0xbe: {  	v3 =	vadd.s32 v1, v3;
	_ =	sdelay $0x2  }
0xbf: {  	[tilespmem:s24], [sflag:$0x1] =	stream.indirect_vreg.gather [hbm4b:s1+s2], $0x80, v4, vm0, $0xb8;
	[tilespmem:$0x8080] =	vst v63  }
0xc0: {  	_ = 	snop  }
0xc1: {  	[tilespmem:s25], [sflag:$0x1] =	stream.indirect_vreg.gather [hbm4b:s1+s2], $0x80, v3, vm0, $0xb8;
	[tilespmem:$0x8080] =	vst v63  }
0xc2: {  	_ =	swait.ge [sflag:s26], $0x8000  }
0xc3: {  	p0 =	sne.s32 s8, $0x1;
	[sflag:s26] =	ssyncset.done $0x0  }
.Ltmp0:
0xc4: {  	[sflag:s26] =	ssyncadd.s32 $0xFFFF8000;
	(pc) =	sbr.rel @p0 .LBB2_1-.Ltmp0, $4  }
0xc5: {  	[hbm4b:s7+s2] =	stream.linear.scatter [tilespmem:s10], [sflag:$0x2], $0x8000, $0x38;
	[tilespmem:$0x8080] =	vst v63  }
0xc6: {  	_ =	swait.ge [sflag:s9], $0x8000  }
0xc7: {  	[sflag:s9] =	ssyncset.done $0x0  }
0xc8: {  	s8 =	sadd.s32 $0xFFFFFFFF, s8;
	[sflag:s9] =	ssyncadd.s32 $0xFFFF8000  }
0xc9: {  	_ =	sfence.sel $0x180000  }
0xca: {  	[bflag:$0x0] =	sbarrier.arrive $0xFFFF  }
0xcb: {  	p0 =	sne.s32 s3, $0x0;
	_ =	strace $0x90000047  }
0xcc: {  	s0 =	sadd.s32 @!p0 $0x100000, s0;
	[bflag:$0x2] =	sbarrier.arrive $0xFFFF  }
0xcd: {  	[sflag:s0] =	ssyncadd.tile.s32 @!p0 $0x1;
	_ =	shalt  }
.Lfunc_end2:
_tile_overlayer_lowered:
.L_overlay_start_2:
0xce: {  	(tag) =	ssettag $0x2  }
0xcf: {  	s0 =	rddreg [dreg:$0x0];
	s2 =	stileid.u32  }
0xd0: {  	s1 =	rddreg [dreg:$0x1];
	p0 =	sne.s32 s2, $0x0  }
0xd1: {  	s3 =	rddreg [dreg:$0x2];
	[bflag:$0x3] =	sbarrier.arrive $0xFFFF;
	s2 =	simm.s32 @!p0 $0x1C02  }
0xd2: {  	[timem:s3], [sflag:s2] =	dma.local @!p0 [hbm:s0], s1  }
0xd3: {  	s0 =	simm.s32 @!p0 $0x2  }
0xd4: {  	_ =	swait.ge @!p0 [sflag:s0], s1  }
0xd5: {  	s1 =	ssub.s32 @!p0 $0x0, s1;
	[sflag:s0] =	ssyncset.done @!p0 $0x0  }
0xd6: {  	[sflag:s0] =	ssyncadd.s32 @!p0 s1  }
0xd7: {  	[bflag:$0x3] =	sbarrier.arrive $0xFFFF  }
0xd8: {  	_ =	shalt  }

</sc_bundles>
